<compile_context>
chip_gen: v7x
topology: tpu7x:2x2x1
jax: 0.10.2.dev20260603
libtpu: 0.0.44.dev20260713+nightly
codegen_flags: <defaults>
</compile_context>

<pallas_src>
import functools

import jax
import jax.numpy as jnp
from jax import lax
from jax.experimental import pallas as pl
from jax.experimental.pallas import tpu as pltpu
from jax.experimental.pallas import tpu_sc as plsc

_N = 1024
_D = 128
_NC = 2
_NS = 16
_NW = _NC * _NS
_ROWS_PER_W = _N // _NW
_STAGE = 2048 // _NS
_HS = 512
_HD = _N - _HS
_WIN = _HS + _ROWS_PER_W


def _rpe_body(tbl_hbm, out_hbm, idx_v, stage_v, win_v, shared, sem, sem2):
    c = lax.axis_index("c")
    s = lax.axis_index("s")
    w = s * _NC + c

    k0 = s * _STAGE
    for t in range(_STAGE // 16):
        v = (2046 - k0 - 16 * t) - lax.iota(jnp.int32, 16)
        idx_v[pl.ds(16 * t, 16)] = jnp.maximum(v, 0)
    pltpu.async_copy(tbl_hbm.at[idx_v], stage_v, sem).wait()
    pltpu.sync_copy(stage_v, shared.at[pl.ds(k0, _STAGE)])
    plsc.subcore_barrier()

    w0 = (_N - _ROWS_PER_W) - _ROWS_PER_W * w
    pltpu.sync_copy(shared.at[pl.ds(w0, _WIN)], win_v)

    def body(j, carry):
        i = w * _ROWS_PER_W + j
        cp = pltpu.async_copy(
            win_v.at[pl.ds(_ROWS_PER_W - 1 - j, _HS)],
            out_hbm.at[i, pl.ds(0, _HS)], sem2)
        pltpu.sync_copy(shared.at[pl.ds(1023 - i + _HS, _HD)],
                        out_hbm.at[i, pl.ds(_HS, _HD)])
        cp.wait()
        return carry

    lax.fori_loop(0, _ROWS_PER_W, body, 0)


_rpe = functools.partial(
    pl.kernel,
    out_type=jax.ShapeDtypeStruct((_N, _N, _D), jnp.float32),
    mesh=plsc.VectorSubcoreMesh(
        core_axis_name="c", subcore_axis_name="s",
        num_cores=_NC, num_subcores=_NS),
    scratch_types=[
        pltpu.VMEM((_STAGE,), jnp.int32),
        pltpu.VMEM((_STAGE, _D), jnp.float32),
        pltpu.VMEM((_WIN, _D), jnp.float32),
        pltpu.VMEM_SHARED((2048, _D), jnp.float32),
        pltpu.SemaphoreType.DMA,
        pltpu.SemaphoreType.DMA,
    ],
)(_rpe_body)


def kernel(seq_len, rel_pos_emb):
    del seq_len
    return _rpe(rel_pos_emb)

# --- scband reference (transcript-rebuilt; emitter-appended) ---
"""Pipeline reference for scband-relative-positional-encoding-60799557042388 (READ-ONLY COPY).

The authoritative reference and input builder live on the scoring server;
editing this copy changes nothing except your own understanding.
"""

import jax, jax.numpy as jnp
import numpy as np

MAX_LEN = 1024
D_MODEL = 128

def setup_inputs(seed: int = 0) -> dict:
    key = jax.random.key(seed)
    rel_pos_emb = jax.random.normal(key, (2 * MAX_LEN - 1, D_MODEL), dtype=jnp.float32) * 0.02
    return {"seq_len": 1024, "rel_pos_emb": rel_pos_emb}

def reference(seq_len, rel_pos_emb):
    n = (rel_pos_emb.shape[0] + 1) // 2
    positions = jnp.arange(n) + (seq_len - n)
    rel_pos = positions[:, None] - positions[None, :]
    rel_pos = rel_pos + (MAX_LEN - 1)
    # gather: [seq_len, seq_len, d_model]
    return jnp.take(rel_pos_emb, rel_pos, axis=0)

if __name__ == "__main__":
    import jax
    _d = setup_inputs()
    print(jax.jit(kernel)(*tuple(_d.values())))

</pallas_src>

<mosaic_0001>
#map = affine_map<(d0, d1) -> (0, 0)>
#map1 = affine_map<(d0, d1) -> (0, 0, 0)>
module attributes {stable_mosaic.version = 14 : i64} {
  func.func @_rpe_body(%arg0: i32, %arg1: i32, %arg2: memref<2047x128xf32, #tpu.memory_space<hbm>>, %arg3: memref<1024x1024x128xf32, #tpu.memory_space<hbm>>, %arg4: memref<128xi32, #tpu.memory_space<vmem>>, %arg5: memref<128x128xf32, #tpu.memory_space<vmem>>, %arg6: memref<544x128xf32, #tpu.memory_space<vmem>>, %arg7: memref<2048x128xf32, #tpu.memory_space<vmem_shared>>, %arg8: memref<!tpu.dma_semaphore, #tpu.memory_space<semaphore_mem>>, %arg9: memref<!tpu.dma_semaphore, #tpu.memory_space<semaphore_mem>>) attributes {dimension_semantics = [#tpu.dimension_semantics<core_parallel>, #tpu.dimension_semantics<subcore_parallel>], iteration_bounds = array<i64: 2, 16>, scalar_prefetch = 0 : i64, scratch_operands = 6 : i64, tpu.core_type = #tpu.core_type<sc_vector_subcore>, window_params = [{transform_indices = #map}, {transform_indices = #map1}]} {
    %mul3A = arith.constant 2 : i32
    %mul3A_0 = arith.muli %arg1, %mul3A : i32
    %add3A = arith.addi %mul3A_0, %arg0 : i32
    %mul3A_1 = arith.constant 128 : i32
    %mul3A_2 = arith.muli %arg1, %mul3A_1 : i32
    %sub3A = arith.constant 2046 : i32
    %sub3A_3 = arith.subi %sub3A, %mul3A_2 : i32
    %sub3A_4 = arith.constant 0 : i32
    %sub3A_5 = arith.subi %sub3A_3, %sub3A_4 : i32
    %iota3A = tpu.iota {dimensions = array<i32: 0>} : vector<16xi32>
    %sub3A_6 = vector.broadcast %sub3A_5 : i32 to vector<16xi32>
    %sub3A_7 = arith.subi %sub3A_6, %iota3A : vector<16xi32>
    %max3A = arith.constant 0 : i32
    %max3A_8 = vector.broadcast %max3A : i32 to vector<16xi32>
    %max3A_9 = arith.maxsi %sub3A_7, %max3A_8 : vector<16xi32>
    %swap3A = arith.constant 0 : index
    %swap3A_10 = tpu.vector_load %arg4[%swap3A] {strides = array<i32>} : memref<128xi32, #tpu.memory_space<vmem>>, vector<16xi32>,
    %swap3A_11 = vector.shape_cast %swap3A_10 : vector<16xi32> to vector<16xi32>
    %swap3A_12 = vector.shape_cast %max3A_9 : vector<16xi32> to vector<16xi32>
    tpu.vector_store %arg4[%swap3A], %swap3A_12 {strides = array<i32>} : memref<128xi32, #tpu.memory_space<vmem>>, vector<16xi32>,
    %sub3A_13 = arith.constant 2046 : i32
    %sub3A_14 = arith.subi %sub3A_13, %mul3A_2 : i32
    %sub3A_15 = arith.constant 16 : i32
    %sub3A_16 = arith.subi %sub3A_14, %sub3A_15 : i32
    %iota3A_17 = tpu.iota {dimensions = array<i32: 0>} : vector<16xi32>
    %sub3A_18 = vector.broadcast %sub3A_16 : i32 to vector<16xi32>
    %sub3A_19 = arith.subi %sub3A_18, %iota3A_17 : vector<16xi32>
    %max3A_20 = arith.constant 0 : i32
    %max3A_21 = vector.broadcast %max3A_20 : i32 to vector<16xi32>
    %max3A_22 = arith.maxsi %sub3A_19, %max3A_21 : vector<16xi32>
    %swap3A_23 = arith.constant 16 : index
    %swap3A_24 = tpu.vector_load %arg4[%swap3A_23] {strides = array<i32>} : memref<128xi32, #tpu.memory_space<vmem>>, vector<16xi32>,
    %swap3A_25 = vector.shape_cast %swap3A_24 : vector<16xi32> to vector<16xi32>
    %swap3A_26 = vector.shape_cast %max3A_22 : vector<16xi32> to vector<16xi32>
    tpu.vector_store %arg4[%swap3A_23], %swap3A_26 {strides = array<i32>} : memref<128xi32, #tpu.memory_space<vmem>>, vector<16xi32>,
    %sub3A_27 = arith.constant 2046 : i32
    %sub3A_28 = arith.subi %sub3A_27, %mul3A_2 : i32
    %sub3A_29 = arith.constant 32 : i32
    %sub3A_30 = arith.subi %sub3A_28, %sub3A_29 : i32
    %iota3A_31 = tpu.iota {dimensions = array<i32: 0>} : vector<16xi32>
    %sub3A_32 = vector.broadcast %sub3A_30 : i32 to vector<16xi32>
    %sub3A_33 = arith.subi %sub3A_32, %iota3A_31 : vector<16xi32>
    %max3A_34 = arith.constant 0 : i32
    %max3A_35 = vector.broadcast %max3A_34 : i32 to vector<16xi32>
    %max3A_36 = arith.maxsi %sub3A_33, %max3A_35 : vector<16xi32>
    %swap3A_37 = arith.constant 32 : index
    %swap3A_38 = tpu.vector_load %arg4[%swap3A_37] {strides = array<i32>} : memref<128xi32, #tpu.memory_space<vmem>>, vector<16xi32>,
    %swap3A_39 = vector.shape_cast %swap3A_38 : vector<16xi32> to vector<16xi32>
    %swap3A_40 = vector.shape_cast %max3A_36 : vector<16xi32> to vector<16xi32>
    tpu.vector_store %arg4[%swap3A_37], %swap3A_40 {strides = array<i32>} : memref<128xi32, #tpu.memory_space<vmem>>, vector<16xi32>,
    %sub3A_41 = arith.constant 2046 : i32
    %sub3A_42 = arith.subi %sub3A_41, %mul3A_2 : i32
    %sub3A_43 = arith.constant 48 : i32
    %sub3A_44 = arith.subi %sub3A_42, %sub3A_43 : i32
    %iota3A_45 = tpu.iota {dimensions = array<i32: 0>} : vector<16xi32>
    %sub3A_46 = vector.broadcast %sub3A_44 : i32 to vector<16xi32>
    %sub3A_47 = arith.subi %sub3A_46, %iota3A_45 : vector<16xi32>
    %max3A_48 = arith.constant 0 : i32
    %max3A_49 = vector.broadcast %max3A_48 : i32 to vector<16xi32>
    %max3A_50 = arith.maxsi %sub3A_47, %max3A_49 : vector<16xi32>
    %swap3A_51 = arith.constant 48 : index
    %swap3A_52 = tpu.vector_load %arg4[%swap3A_51] {strides = array<i32>} : memref<128xi32, #tpu.memory_space<vmem>>, vector<16xi32>,
    %swap3A_53 = vector.shape_cast %swap3A_52 : vector<16xi32> to vector<16xi32>
    %swap3A_54 = vector.shape_cast %max3A_50 : vector<16xi32> to vector<16xi32>
    tpu.vector_store %arg4[%swap3A_51], %swap3A_54 {strides = array<i32>} : memref<128xi32, #tpu.memory_space<vmem>>, vector<16xi32>,
    %sub3A_55 = arith.constant 2046 : i32
    %sub3A_56 = arith.subi %sub3A_55, %mul3A_2 : i32
    %sub3A_57 = arith.constant 64 : i32
    %sub3A_58 = arith.subi %sub3A_56, %sub3A_57 : i32
    %iota3A_59 = tpu.iota {dimensions = array<i32: 0>} : vector<16xi32>
    %sub3A_60 = vector.broadcast %sub3A_58 : i32 to vector<16xi32>
    %sub3A_61 = arith.subi %sub3A_60, %iota3A_59 : vector<16xi32>
    %max3A_62 = arith.constant 0 : i32
    %max3A_63 = vector.broadcast %max3A_62 : i32 to vector<16xi32>
    %max3A_64 = arith.maxsi %sub3A_61, %max3A_63 : vector<16xi32>
    %swap3A_65 = arith.constant 64 : index
    %swap3A_66 = tpu.vector_load %arg4[%swap3A_65] {strides = array<i32>} : memref<128xi32, #tpu.memory_space<vmem>>, vector<16xi32>,
    %swap3A_67 = vector.shape_cast %swap3A_66 : vector<16xi32> to vector<16xi32>
    %swap3A_68 = vector.shape_cast %max3A_64 : vector<16xi32> to vector<16xi32>
    tpu.vector_store %arg4[%swap3A_65], %swap3A_68 {strides = array<i32>} : memref<128xi32, #tpu.memory_space<vmem>>, vector<16xi32>,
    %sub3A_69 = arith.constant 2046 : i32
    %sub3A_70 = arith.subi %sub3A_69, %mul3A_2 : i32
    %sub3A_71 = arith.constant 80 : i32
    %sub3A_72 = arith.subi %sub3A_70, %sub3A_71 : i32
    %iota3A_73 = tpu.iota {dimensions = array<i32: 0>} : vector<16xi32>
    %sub3A_74 = vector.broadcast %sub3A_72 : i32 to vector<16xi32>
    %sub3A_75 = arith.subi %sub3A_74, %iota3A_73 : vector<16xi32>
    %max3A_76 = arith.constant 0 : i32
    %max3A_77 = vector.broadcast %max3A_76 : i32 to vector<16xi32>
    %max3A_78 = arith.maxsi %sub3A_75, %max3A_77 : vector<16xi32>
    %swap3A_79 = arith.constant 80 : index
    %swap3A_80 = tpu.vector_load %arg4[%swap3A_79] {strides = array<i32>} : memref<128xi32, #tpu.memory_space<vmem>>, vector<16xi32>,
    %swap3A_81 = vector.shape_cast %swap3A_80 : vector<16xi32> to vector<16xi32>
    %swap3A_82 = vector.shape_cast %max3A_78 : vector<16xi32> to vector<16xi32>
    tpu.vector_store %arg4[%swap3A_79], %swap3A_82 {strides = array<i32>} : memref<128xi32, #tpu.memory_space<vmem>>, vector<16xi32>,
    %sub3A_83 = arith.constant 2046 : i32
    %sub3A_84 = arith.subi %sub3A_83, %mul3A_2 : i32
    %sub3A_85 = arith.constant 96 : i32
    %sub3A_86 = arith.subi %sub3A_84, %sub3A_85 : i32
    %iota3A_87 = tpu.iota {dimensions = array<i32: 0>} : vector<16xi32>
    %sub3A_88 = vector.broadcast %sub3A_86 : i32 to vector<16xi32>
    %sub3A_89 = arith.subi %sub3A_88, %iota3A_87 : vector<16xi32>
    %max3A_90 = arith.constant 0 : i32
    %max3A_91 = vector.broadcast %max3A_90 : i32 to vector<16xi32>
    %max3A_92 = arith.maxsi %sub3A_89, %max3A_91 : vector<16xi32>
    %swap3A_93 = arith.constant 96 : index
    %swap3A_94 = tpu.vector_load %arg4[%swap3A_93] {strides = array<i32>} : memref<128xi32, #tpu.memory_space<vmem>>, vector<16xi32>,
    %swap3A_95 = vector.shape_cast %swap3A_94 : vector<16xi32> to vector<16xi32>
    %swap3A_96 = vector.shape_cast %max3A_92 : vector<16xi32> to vector<16xi32>
    tpu.vector_store %arg4[%swap3A_93], %swap3A_96 {strides = array<i32>} : memref<128xi32, #tpu.memory_space<vmem>>, vector<16xi32>,
    %sub3A_97 = arith.constant 2046 : i32
    %sub3A_98 = arith.subi %sub3A_97, %mul3A_2 : i32
    %sub3A_99 = arith.constant 112 : i32
    %sub3A_100 = arith.subi %sub3A_98, %sub3A_99 : i32
    %iota3A_101 = tpu.iota {dimensions = array<i32: 0>} : vector<16xi32>
    %sub3A_102 = vector.broadcast %sub3A_100 : i32 to vector<16xi32>
    %sub3A_103 = arith.subi %sub3A_102, %iota3A_101 : vector<16xi32>
    %max3A_104 = arith.constant 0 : i32
    %max3A_105 = vector.broadcast %max3A_104 : i32 to vector<16xi32>
    %max3A_106 = arith.maxsi %sub3A_103, %max3A_105 : vector<16xi32>
    %swap3A_107 = arith.constant 112 : index
    %swap3A_108 = tpu.vector_load %arg4[%swap3A_107] {strides = array<i32>} : memref<128xi32, #tpu.memory_space<vmem>>, vector<16xi32>,
    %swap3A_109 = vector.shape_cast %swap3A_108 : vector<16xi32> to vector<16xi32>
    %swap3A_110 = vector.shape_cast %max3A_106 : vector<16xi32> to vector<16xi32>
    tpu.vector_store %arg4[%swap3A_107], %swap3A_110 {strides = array<i32>} : memref<128xi32, #tpu.memory_space<vmem>>, vector<16xi32>,
    %dma_start3A = arith.constant 0 : i32
    %dma_start3A_111 = arith.constant 0 : i32
    %dma_start3A_112 = tpu.memref_slice %arg2[%dma_start3A, %dma_start3A_111] : memref<2047x128xf32, #tpu.memory_space<hbm>> -> memref<2047x128xf32, #tpu.memory_space<hbm>>
    tpu.enqueue_indirect_dma source(%dma_start3A_112 : memref<2047x128xf32, #tpu.memory_space<hbm>>) target(%arg5 : memref<128x128xf32, #tpu.memory_space<vmem>>) offsets(%arg4 : memref<128xi32, #tpu.memory_space<vmem>>) semaphore(%arg8 : memref<!tpu.dma_semaphore, #tpu.memory_space<semaphore_mem>>)
    %dma_wait3A = arith.constant 0 : i32
    %dma_wait3A_113 = arith.constant 0 : i32
    %dma_wait3A_114 = tpu.memref_slice %arg2[%dma_wait3A, %dma_wait3A_113] : memref<2047x128xf32, #tpu.memory_space<hbm>> -> memref<2047x128xf32, #tpu.memory_space<hbm>>
    tpu.wait_indirect_dma semaphore(%arg8 : memref<!tpu.dma_semaphore, #tpu.memory_space<semaphore_mem>>) src(%dma_wait3A_114 : memref<2047x128xf32, #tpu.memory_space<hbm>>) dst(%arg5 : memref<128x128xf32, #tpu.memory_space<vmem>>)
    "tpu.region"() ({
      %run_scoped3A = tpu.sem_alloc : memref<!tpu.dma_semaphore, #tpu.memory_space<semaphore_mem>>
      %dma_start3A_124 = arith.constant 0 : i32
      %dma_start3A_125 = tpu.memref_slice %arg7[%mul3A_2, %dma_start3A_124] : memref<2048x128xf32, #tpu.memory_space<vmem_shared>> -> memref<128x128xf32, #tpu.memory_space<vmem_shared>>
      %dma_start3A_126 = arith.constant 0 : i32
      %dma_start3A_127 = tpu.memref_slice %arg7[%mul3A_2, %dma_start3A_126] : memref<2048x128xf32, #tpu.memory_space<vmem_shared>> -> memref<128x128xf32, #tpu.memory_space<vmem_shared>>
      tpu.enqueue_dma source(%arg5 : memref<128x128xf32, #tpu.memory_space<vmem>>) target(%dma_start3A_127 : memref<128x128xf32, #tpu.memory_space<vmem_shared>>) target_semaphore(%run_scoped3A : memref<!tpu.dma_semaphore, #tpu.memory_space<semaphore_mem>>)
      %dma_wait3A_128 = arith.constant 0 : i32
      %dma_wait3A_129 = tpu.memref_slice %arg7[%mul3A_2, %dma_wait3A_128] : memref<2048x128xf32, #tpu.memory_space<vmem_shared>> -> memref<128x128xf32, #tpu.memory_space<vmem_shared>>
      %dma_wait3A_130 = arith.constant 0 : i32
      %dma_wait3A_131 = tpu.memref_slice %arg7[%mul3A_2, %dma_wait3A_130] : memref<2048x128xf32, #tpu.memory_space<vmem_shared>> -> memref<128x128xf32, #tpu.memory_space<vmem_shared>>
      tpu.wait_dma2 semaphore(%run_scoped3A : memref<!tpu.dma_semaphore, #tpu.memory_space<semaphore_mem>>) src(%arg5 : memref<128x128xf32, #tpu.memory_space<vmem>>) dst(%dma_wait3A_131 : memref<128x128xf32, #tpu.memory_space<vmem_shared>>)
      tpu.yield
    }) : () -> ()
    %barrier3A = arith.constant 0 : index
    tpu.barrier barrier_id(%barrier3A)
    %mul3A_115 = arith.constant 32 : i32
    %mul3A_116 = arith.muli %mul3A_115, %add3A : i32
    %sub3A_117 = arith.constant 992 : i32
    %sub3A_118 = arith.subi %sub3A_117, %mul3A_116 : i32
    "tpu.region"() ({
      %run_scoped3A = tpu.sem_alloc : memref<!tpu.dma_semaphore, #tpu.memory_space<semaphore_mem>>
      %dma_start3A_124 = arith.constant 0 : i32
      %dma_start3A_125 = tpu.memref_slice %arg7[%sub3A_118, %dma_start3A_124] : memref<2048x128xf32, #tpu.memory_space<vmem_shared>> -> memref<544x128xf32, #tpu.memory_space<vmem_shared>>
      %dma_start3A_126 = arith.constant 0 : i32
      %dma_start3A_127 = tpu.memref_slice %arg7[%sub3A_118, %dma_start3A_126] : memref<2048x128xf32, #tpu.memory_space<vmem_shared>> -> memref<544x128xf32, #tpu.memory_space<vmem_shared>>
      tpu.enqueue_dma source(%dma_start3A_127 : memref<544x128xf32, #tpu.memory_space<vmem_shared>>) target(%arg6 : memref<544x128xf32, #tpu.memory_space<vmem>>) target_semaphore(%run_scoped3A : memref<!tpu.dma_semaphore, #tpu.memory_space<semaphore_mem>>)
      %dma_wait3A_128 = arith.constant 0 : i32
      %dma_wait3A_129 = tpu.memref_slice %arg7[%sub3A_118, %dma_wait3A_128] : memref<2048x128xf32, #tpu.memory_space<vmem_shared>> -> memref<544x128xf32, #tpu.memory_space<vmem_shared>>
      %dma_wait3A_130 = arith.constant 0 : i32
      %dma_wait3A_131 = tpu.memref_slice %arg7[%sub3A_118, %dma_wait3A_130] : memref<2048x128xf32, #tpu.memory_space<vmem_shared>> -> memref<544x128xf32, #tpu.memory_space<vmem_shared>>
      tpu.wait_dma2 semaphore(%run_scoped3A : memref<!tpu.dma_semaphore, #tpu.memory_space<semaphore_mem>>) src(%dma_wait3A_131 : memref<544x128xf32, #tpu.memory_space<vmem_shared>>) dst(%arg6 : memref<544x128xf32, #tpu.memory_space<vmem>>)
      tpu.yield
    }) : () -> ()
    %scan3A = arith.constant 0 : i32
    %scan3A_119 = arith.constant 0 : i32
    %scan3A_120 = arith.constant 32 : i32
    %scan3A_121 = arith.addi %scan3A_119, %scan3A_120 : i32
    %scan3A_122 = arith.constant 1 : i32
    scf.for %scan3A_124 = %scan3A_119 to %scan3A_121 step %scan3A_122  : i32 {
      %mul3A_125 = arith.constant 32 : i32
      %mul3A_126 = arith.muli %add3A, %mul3A_125 : i32
      %add3A_127 = arith.addi %mul3A_126, %scan3A_124 : i32
      %sub3A_128 = arith.constant 31 : i32
      %sub3A_129 = arith.subi %sub3A_128, %scan3A_124 : i32
      %dma_start3A_130 = arith.constant 0 : i32
      %dma_start3A_131 = tpu.memref_slice %arg6[%sub3A_129, %dma_start3A_130] : memref<544x128xf32, #tpu.memory_space<vmem>> -> memref<512x128xf32, #tpu.memory_space<vmem>>
      %dma_start3A_132 = arith.constant 0 : i32
      %dma_start3A_133 = arith.constant 0 : i32
      %dma_start3A_134 = tpu.memref_slice %arg3[%add3A_127, %dma_start3A_132, %dma_start3A_133] : memref<1024x1024x128xf32, #tpu.memory_space<hbm>> -> memref<1x512x128xf32, #tpu.memory_space<hbm>>
      %dma_start3A_135 = tpu.memref_squeeze %dma_start3A_134 : memref<1x512x128xf32, #tpu.memory_space<hbm>> -> memref<512x128xf32, #tpu.memory_space<hbm>>
      %dma_start3A_136 = arith.constant 0 : i32
      %dma_start3A_137 = arith.constant 0 : i32
      %dma_start3A_138 = tpu.memref_slice %arg3[%add3A_127, %dma_start3A_136, %dma_start3A_137] : memref<1024x1024x128xf32, #tpu.memory_space<hbm>> -> memref<1x512x128xf32, #tpu.memory_space<hbm>>
      %dma_start3A_139 = tpu.memref_squeeze %dma_start3A_138 : memref<1x512x128xf32, #tpu.memory_space<hbm>> -> memref<512x128xf32, #tpu.memory_space<hbm>>
      %dma_start3A_140 = arith.constant 0 : i32
      %dma_start3A_141 = tpu.memref_slice %arg6[%sub3A_129, %dma_start3A_140] : memref<544x128xf32, #tpu.memory_space<vmem>> -> memref<512x128xf32, #tpu.memory_space<vmem>>
      tpu.enqueue_dma source(%dma_start3A_141 : memref<512x128xf32, #tpu.memory_space<vmem>>) target(%dma_start3A_139 : memref<512x128xf32, #tpu.memory_space<hbm>>) target_semaphore(%arg9 : memref<!tpu.dma_semaphore, #tpu.memory_space<semaphore_mem>>)
      %sub3A_142 = arith.constant 1023 : i32
      %sub3A_143 = arith.subi %sub3A_142, %add3A_127 : i32
      %add3A_144 = arith.constant 512 : i32
      %add3A_145 = arith.addi %sub3A_143, %add3A_144 : i32
      "tpu.region"() ({
        %run_scoped3A = tpu.sem_alloc : memref<!tpu.dma_semaphore, #tpu.memory_space<semaphore_mem>>
        %dma_start3A_158 = arith.constant 512 : i32
        %dma_start3A_159 = arith.constant 0 : i32
        %dma_start3A_160 = tpu.memref_slice %arg3[%add3A_127, %dma_start3A_158, %dma_start3A_159] : memref<1024x1024x128xf32, #tpu.memory_space<hbm>> -> memref<1x512x128xf32, #tpu.memory_space<hbm>>
        %dma_start3A_161 = tpu.memref_squeeze %dma_start3A_160 : memref<1x512x128xf32, #tpu.memory_space<hbm>> -> memref<512x128xf32, #tpu.memory_space<hbm>>
        %dma_start3A_162 = arith.constant 0 : i32
        %dma_start3A_163 = tpu.memref_slice %arg7[%add3A_145, %dma_start3A_162] : memref<2048x128xf32, #tpu.memory_space<vmem_shared>> -> memref<512x128xf32, #tpu.memory_space<vmem_shared>>
        tpu.enqueue_dma source(%dma_start3A_163 : memref<512x128xf32, #tpu.memory_space<vmem_shared>>) target(%dma_start3A_161 : memref<512x128xf32, #tpu.memory_space<hbm>>) target_semaphore(%run_scoped3A : memref<!tpu.dma_semaphore, #tpu.memory_space<semaphore_mem>>)
        %dma_wait3A_164 = arith.constant 512 : i32
        %dma_wait3A_165 = arith.constant 0 : i32
        %dma_wait3A_166 = tpu.memref_slice %arg3[%add3A_127, %dma_wait3A_164, %dma_wait3A_165] : memref<1024x1024x128xf32, #tpu.memory_space<hbm>> -> memref<1x512x128xf32, #tpu.memory_space<hbm>>
        %dma_wait3A_167 = tpu.memref_squeeze %dma_wait3A_166 : memref<1x512x128xf32, #tpu.memory_space<hbm>> -> memref<512x128xf32, #tpu.memory_space<hbm>>
        %dma_wait3A_168 = arith.constant 0 : i32
        %dma_wait3A_169 = tpu.memref_slice %arg7[%add3A_145, %dma_wait3A_168] : memref<2048x128xf32, #tpu.memory_space<vmem_shared>> -> memref<512x128xf32, #tpu.memory_space<vmem_shared>>
        tpu.wait_dma2 semaphore(%run_scoped3A : memref<!tpu.dma_semaphore, #tpu.memory_space<semaphore_mem>>) src(%dma_wait3A_169 : memref<512x128xf32, #tpu.memory_space<vmem_shared>>) dst(%dma_wait3A_167 : memref<512x128xf32, #tpu.memory_space<hbm>>)
        tpu.yield
      }) : () -> ()
      %dma_wait3A_146 = arith.constant 0 : i32
      %dma_wait3A_147 = tpu.memref_slice %arg6[%sub3A_129, %dma_wait3A_146] : memref<544x128xf32, #tpu.memory_space<vmem>> -> memref<512x128xf32, #tpu.memory_space<vmem>>
      %dma_wait3A_148 = arith.constant 0 : i32
      %dma_wait3A_149 = arith.constant 0 : i32
      %dma_wait3A_150 = tpu.memref_slice %arg3[%add3A_127, %dma_wait3A_148, %dma_wait3A_149] : memref<1024x1024x128xf32, #tpu.memory_space<hbm>> -> memref<1x512x128xf32, #tpu.memory_space<hbm>>
      %dma_wait3A_151 = tpu.memref_squeeze %dma_wait3A_150 : memref<1x512x128xf32, #tpu.memory_space<hbm>> -> memref<512x128xf32, #tpu.memory_space<hbm>>
      %dma_wait3A_152 = arith.constant 0 : i32
      %dma_wait3A_153 = arith.constant 0 : i32
      %dma_wait3A_154 = tpu.memref_slice %arg3[%add3A_127, %dma_wait3A_152, %dma_wait3A_153] : memref<1024x1024x128xf32, #tpu.memory_space<hbm>> -> memref<1x512x128xf32, #tpu.memory_space<hbm>>
      %dma_wait3A_155 = tpu.memref_squeeze %dma_wait3A_154 : memref<1x512x128xf32, #tpu.memory_space<hbm>> -> memref<512x128xf32, #tpu.memory_space<hbm>>
      %dma_wait3A_156 = arith.constant 0 : i32
      %dma_wait3A_157 = tpu.memref_slice %arg6[%sub3A_129, %dma_wait3A_156] : memref<544x128xf32, #tpu.memory_space<vmem>> -> memref<512x128xf32, #tpu.memory_space<vmem>>
      tpu.wait_dma2 semaphore(%arg9 : memref<!tpu.dma_semaphore, #tpu.memory_space<semaphore_mem>>) src(%dma_wait3A_157 : memref<512x128xf32, #tpu.memory_space<vmem>>) dst(%dma_wait3A_155 : memref<512x128xf32, #tpu.memory_space<hbm>>)
    }
    %scan3A_123 = arith.constant 32 : i32
    return
  }
}

</mosaic_0001>

<sc_bundles>
// kernel: kernel.3.cloned.1.call-start
scs
__scs_entry_jumppad:
0x0: {  	(pc) =	sbr.rel $0x88, $3  }
0x1: {  	(tag) =	ssettag $0x0;
	lr =	simm.s32 $0x1  }
0x2: {  	[smem:$0x3FA0] =	sst lr;
	_ =	strace $0xD0000000  }
0x3: {  	_ = 	snop  }
0x4: {  	_ = 	snop  }
0x5: {  	_ = 	snop  }
0x6: {  	_ = 	snop  }
0x7: {  	_ = 	snop  }
__scs_overlays_trampoline_lowered:
0x8: {  	[smem:$0x3FAF] =	sst s0  }
0x9: {  	[smem:$0x3FB0] =	sst s1  }
0xa: {  	[smem:$0x3FB1] =	sst s2  }
0xb: {  	[smem:$0x3FB2] =	sst s3  }
0xc: {  	[smem:$0x3FB3] =	sst s4  }
0xd: {  	[smem:$0x3FB4] =	sst s5  }
0xe: {  	[smem:$0x3FB5] =	sst s6  }
0xf: {  	[smem:$0x3FB6] =	sst s7  }
0x10: {  	[smem:$0x3FB7] =	sst s8  }
0x11: {  	[smem:$0x3FB8] =	sst s9;
	s0 =	simm.s32 @!p0 $0x0  }
0x12: {  	s1 =	sld [smem:$0x3F9E];
	s0 =	simm.s32 @p0 $0x1  }
0x13: {  	[smem:$0x3FB9] =	sst s0;
	s0 =	simm.s32 @!p1 $0x0  }
0x14: {  	s2 =	sld [smem:$0x3F9D];
	s0 =	simm.s32 @p1 $0x1  }
0x15: {  	[smem:$0x3FBA] =	sst s0;
	s0 =	simm.s32 @!p2 $0x0  }
0x16: {  	s3 =	sld [smem:$0x3FDB];
	s0 =	simm.s32 @p2 $0x1  }
0x17: {  	s4 =	simm.s32 $0x1BF5;
	[smem:$0x3FBC] =	sst s0  }
0x18: {  	s0 =	sld [smem:$0x3F9F];
	_ =	swait.ge [sflag:s4], $0x0  }
0x19: {  	s7 =	sld [smem:$0x3FA0]  }
0x1a: {  	s8 =	sadd.s32 $0xFFFFE003, lr  }
0x1b: {  	s9 =	sadd.s32 $0xFFFFFEF7, lr;
	s5 =	simm.s32 $0xFFFFFFFF;
	p2 =	slt.u32 s8, $0xFFFFF086  }
0x1c: {  	p1 =	slt.u32 s9, $0xF7A;
	s5 =	simm.s32 @!p2 $0x0  }
0x1d: {  	s5 =	simm.s32 @p1 $0x1;
	p0 =	seq.s32 s7, s2  }
0x1e: {  	s7 =	smul.u32 @!p0 $0xF7A, s2;
	p2 =	seq.s32 @!p0 s5, $0x0  }
0x1f: {  	s9 =	smul.u32 $0xF7A, s1;
	s8 =	simm.s32 @!p0 $0x1BF5;
	p2 =	por !p2, p0  }
0x20: {  	[sflag:s8] =	ssyncset.s32 @!p0 $0xFFFFF086;
	s6 =	sadd.s32 @!p0 s3, s7;
	s7 =	simm.s32 @!p0 $0x108  }
0x21: {  	s3 =	sadd.s32 s3, s9;
	s6 =	sadd.s32 @!p0 $0x88, s6;
	s7 =	simm.s32 @p2 $0x1082  }
0x22: {  	[simem:s7], [sflag:s8] =	dma.local @!p0 [hbm:s6], $0xF7A  }
0x23: {  	s9 =	sor.u32 $0xD0000000, s2;
	s6 =	simm.s32 $0x108;
	_ =	swait.ge @!p0 [sflag:s8], $0x0  }
0x24: {  	s3 =	sadd.s32 $0x88, s3;
	s6 =	simm.s32 @!p1 $0x1082;
	[sflag:s4] =	ssyncset.s32 $0xFFFFF086  }
0x25: {  	[simem:s6], [sflag:s4] =	dma.local [hbm:s3], $0xF7A  }
0x26: {  	[smem:$0x3FA0] =	sst s1;
	(tag) =	ssettag s2;
	_ =	strace s9  }
0x27: {  	s1 =	sld [smem:$0x3FB0]  }
0x28: {  	s2 =	sld [smem:$0x3FB1]  }
0x29: {  	s4 =	sld [smem:$0x3FB3]  }
0x2a: {  	p0 =	seq.s32 s5, $0x0;
	s5 =	sld [smem:$0x3FB4]  }
0x2b: {  	s6 =	sld [smem:$0x3FB5]  }
0x2c: {  	s7 =	sld [smem:$0x3FB6]  }
0x2d: {  	s3 =	simm.s32 $0x108;
	s8 =	sld [smem:$0x3FB7]  }
0x2e: {  	s3 =	simm.s32 @!p0 $0x1082;
	s9 =	sld [smem:$0x3FB8]  }
0x2f: {  	lr =	sadd.s32 s0, s3;
	s0 =	sld [smem:$0x3FAF]  }
0x30: {  	s3 =	sld [smem:$0x3FB2]  }
0x31: {  	[smem:$0x3FBB] =	sst s10  }
0x32: {  	s10 =	sld [smem:$0x3FB9];
	_ =	sdelay $0x3  }
0x33: {  	p0 =	seq.s32 s10, $0x1;
	s10 =	sld [smem:$0x3FBB];
	_ =	sdelay $0x3  }
0x34: {  	[smem:$0x3FBB] =	sst s10  }
0x35: {  	s10 =	sld [smem:$0x3FBA];
	_ =	sdelay $0x3  }
0x36: {  	p1 =	seq.s32 s10, $0x1;
	s10 =	sld [smem:$0x3FBB];
	_ =	sdelay $0x3  }
0x37: {  	[smem:$0x3FBB] =	sst s10  }
0x38: {  	s10 =	sld [smem:$0x3FBC]  }
0x39: {  	_ = 	snop;
	(pc) =	sbr.ind lr, $3  }
0x3a: {  	_ = 	snop  }
0x3b: {  	_ = 	snop  }
0x3c: {  	p2 =	seq.s32 s10, $0x1;
	s10 =	sld [smem:$0x3FBB]  }
0x3d: {  	_ =	shalt  }
0x3e: {  	_ =	shalt  }
0x3f: {  	_ =	shalt  }
0x40: {  	_ =	shalt  }
0x41: {  	_ =	shalt  }
0x42: {  	_ =	shalt  }
0x43: {  	_ =	shalt  }
0x44: {  	_ =	shalt  }
0x45: {  	_ =	shalt  }
0x46: {  	_ =	shalt  }
0x47: {  	_ =	shalt  }
0x48: {  	_ =	shalt  }
0x49: {  	_ =	shalt  }
0x4a: {  	_ =	shalt  }
0x4b: {  	_ =	shalt  }
0x4c: {  	_ =	shalt  }
0x4d: {  	_ =	shalt  }
0x4e: {  	_ =	shalt  }
0x4f: {  	_ =	shalt  }
0x50: {  	_ =	shalt  }
0x51: {  	_ =	shalt  }
0x52: {  	_ =	shalt  }
0x53: {  	_ =	shalt  }
0x54: {  	_ =	shalt  }
0x55: {  	_ =	shalt  }
0x56: {  	_ =	shalt  }
0x57: {  	_ =	shalt  }
0x58: {  	_ =	shalt  }
0x59: {  	_ =	shalt  }
0x5a: {  	_ =	shalt  }
0x5b: {  	_ =	shalt  }
0x5c: {  	_ =	shalt  }
0x5d: {  	_ =	shalt  }
0x5e: {  	_ =	shalt  }
0x5f: {  	_ =	shalt  }
0x60: {  	_ =	shalt  }
0x61: {  	_ =	shalt  }
0x62: {  	_ =	shalt  }
0x63: {  	_ =	shalt  }
0x64: {  	_ =	shalt  }
0x65: {  	_ =	shalt  }
0x66: {  	_ =	shalt  }
0x67: {  	_ =	shalt  }
0x68: {  	_ =	shalt  }
0x69: {  	_ =	shalt  }
0x6a: {  	_ =	shalt  }
0x6b: {  	_ =	shalt  }
0x6c: {  	_ =	shalt  }
0x6d: {  	_ =	shalt  }
0x6e: {  	_ =	shalt  }
0x6f: {  	_ =	shalt  }
0x70: {  	_ =	shalt  }
0x71: {  	_ =	shalt  }
0x72: {  	_ =	shalt  }
0x73: {  	_ =	shalt  }
0x74: {  	_ =	shalt  }
0x75: {  	_ =	shalt  }
0x76: {  	_ =	shalt  }
0x77: {  	_ =	shalt  }
0x78: {  	_ =	shalt  }
0x79: {  	_ =	shalt  }
0x7a: {  	_ =	shalt  }
0x7b: {  	_ =	shalt  }
0x7c: {  	_ =	shalt  }
0x7d: {  	_ =	shalt  }
0x7e: {  	_ =	shalt  }
0x7f: {  	_ =	shalt  }
0x80: {  	_ =	shalt  }
0x81: {  	_ =	shalt  }
0x82: {  	_ =	shalt  }
0x83: {  	_ =	shalt  }
0x84: {  	_ =	shalt  }
0x85: {  	_ =	shalt  }
0x86: {  	_ =	shalt  }
0x87: {  	_ =	shalt  }
.Lfunc_end0:
.L_simem_size_0:
called_computation_lowered:
.L_overlay_start_0:
0x88: {  	s2 =	sld [smem:$0x3FD9]  }
0x89: {  	s3 =	sld [smem:$0x3FFE];
	_ =	sdelay $0x1  }
0x8a: {  	s1 =	srdreg.scid  }
0x8b: {  	s0 =	sand.u32 $0x1, s1  }
0x8c: {  	s18 =	sshll.u32 s0, $0xA;
	s2 =	sadd.s32 s3, s2  }
0x8d: {  	s2 =	sadd.s32 s2, s18  }
0x8e: {  	[smem:$0x3FC7] =	sst s2  }
0x8f: {  	_ = 	snop  }
0x90: {  	s2 =	sld [smem:$0x3FC9]  }
0x91: {  	s19 =	sld [smem:$0x3FD0];
	(tm) =	ssettm $0x1  }
0x92: {  	s4 =	sld [smem:$0x3FFB];
	_ =	sdelay $0x3  }
0x93: {  	_ =	strace s4  }
0x94: {  	s4 =	sld [smem:$0x3FFC];
	_ =	sdelay $0x3  }
0x95: {  	_ =	strace s4  }
0x96: {  	s4 =	sld [smem:$0x3FFD];
	_ =	sdelay $0x3  }
0x97: {  	_ =	strace s4  }
0x98: {  	_ =	strace $0x8FFFFFFF  }
0x99: {  	s20 =	sld [smem:$0x3FDB];
	_ =	sdelay $0x1  }
0x9a: {  	s5 =	simm.s32 $_scs_section_size  }
0x9b: {  	s6 =	simm.s32 $_size__tile_overlayer_lowered;
	s7 =	simm.s32 $_tile_overlayer_lowered  }
0x9c: {  	s23 =	simm.s32 $0x1BFF;
	s22 =	sshll.u32 s7, $0x1;
	s4 =	sadd.s32 s5, s20  }
0x9d: {  	s8 =	simm.s32 $0x0;
	s21 =	sshll.u32 s6, $0x1;
	s6 =	sadd.s32 s22, s4  }
0x9e: {  	[timem:s8], [sflag:s23] =	dma.local [hbm:s6], s21  }
0x9f: {  	_ =	swait.ge [sflag:s23], s21  }
0xa0: {  	s5 =	ssub.s32 $0x0, s21;
	[sflag:s23] =	ssyncset.done $0x0  }
0xa1: {  	[sflag:s23] =	ssyncadd.s32 s5;
	_ =	sdelay $0x1  }
0xa2: {  	s24 =	simm.s32 $0x1B8B  }
0xa3: {  	_ =	swait.ge [sflag:s24], $0x1  }
0xa4: {  	[sflag:s24] =	ssyncset.done $0x0  }
0xa5: {  	s25 =	simm.s32 $0x1B8E;
	[sflag:s24] =	ssyncadd.s32 $0xFFFFFFFF  }
0xa6: {  	s26 =	simm.s32 $execute0_lowered;
	[smem:$0x3FD2] =	sst s25  }
0xa7: {  	s5 =	sshll.u32 s26, $0x1;
	_ =	strace $0x80000046;
	[dreg:$0x1] =	wrdreg $0xFFFFFFFF  }
0xa8: {  	s28 =	simm.s32 $_size_execute0_lowered;
	s4 =	sadd.s32 s4, s5;
	[dreg:$0x0] =	wrdreg $0x0  }
0xa9: {  	s5 =	sshll.u32 s28, $0x1;
	[dreg:$0x2] =	wrdreg s4  }
0xaa: {  	[dreg:$0x3] =	wrdreg s5  }
0xab: {  	[dreg:$0x4] =	wrdreg $0xC0  }
0xac: {  	_ =	task [dreg:s8], $0x5FFFF  }
0xad: {  	[dreg:$0x1] =	wrdreg $0xFFFFFFFF  }
0xae: {  	[dreg:$0x0] =	wrdreg $0x60  }
0xaf: {  	[dreg:$0x2] =	wrdreg s2  }
0xb0: {  	[dreg:$0x3] =	wrdreg s19  }
0xb1: {  	[dreg:$0x4] =	wrdreg $0x150800  }
0xb2: {  	[dreg:$0x5] =	wrdreg $0x9  }
0xb3: {  	_ =	task.clear_ibuf [dreg:s8], $0x6FFFF;
	_ =	strace $0x90000046  }
0xb4: {  	s29 =	simm.s32 $0x9;
	_ =	strace $0x80000048  }
0xb5: {  	_ =	swait.ge [sflag:s29], $0x1  }
0xb6: {  	[sflag:s29] =	ssyncadd.s32 $0xFFFFFFFF  }
0xb7: {  	_ =	strace $0x90000048  }
0xb8: {  	_ =	sfence  }
0xb9: {  	s30 =	sld [smem:$0x0];
	_ =	sdelay $0x2  }
0xba: {  	s31 =	sshll.u32 s1, $0xD;
	s1 =	sshrl.u32 s1, $0x2  }
0xbb: {  	s3 =	sand.u32 $0x4000, s31;
	s1 =	sadd.s32 s1, s30  }
0xbc: {  	s0 =	sor.u32 s3, s0;
	s1 =	sshll.u32 s1, $0x11  }
0xbd: {  	s0 =	sor.u32 s1, s0  }
0xbe: {  	s0 =	sadd.s32 $0x8F2B, s0  }
0xbf: {  	[sflag:s0] =	ssyncadd.remote.s32 $0x1  }
0xc0: {  	_ =	sfence.sel $0xFFFF  }
0xc1: {  	[dreg:$0x0] =	wrdreg $0xFFFFFFFF;
	(pc) =	sbr.abs _section_cstart, $3  }
0xc2: {  	[dreg:$0x1] =	wrdreg $0xFFFFFFFF  }
0xc3: {  	_ =	task.clear_ibuf [dreg:s8], $0x2FFFF;
	_ =	strace $0x9FFFFFFF  }
0xc4: {  	(tm) =	ssettm $0x7FFFFFFF  }
0xc5: {  	_ =	shalt  }
tec
execute0_lowered:
.L_overlay_start_1:
0x0: {  	(tag) =	ssettag $0x1  }
0x1: {  	s1 =	rddreg [dreg:$0x0]  }
0x2: {  	s5 =	rddreg [dreg:$0x1]  }
0x3: {  	s8 =	rddreg [dreg:$0x2];
	s2 =	srdreg.scid  }
0x4: {  	s0 =	rddreg [dreg:$0x3];
	s3 =	simm.s32 $0x0;
	s6 =	sand.u32 $0x1, s2  }
0x5: {  	[smem:$0x7FF] =	sst s3;
	s2 =	stileid.u32;
	s4 =	ssub.s32 $0x2, s6  }
0x6: {  	_ =	strace $0x80000047;
	s9 =	sshll.u32 s2, $0x7;
	s15 =	sshll.u32 s2, $0xD  }
0x7: {  	s16 =	sshll.u32 s6, $0xC;
	s22 =	sshll.u32 s2, $0xE;
	s24 =	sshll.u32 s2, $0x14  }
0x8: {  	v0 =	vlaneseq.u32;
	s25 =	sshll.u32 s6, $0xE;
	s26 =	sshll.u32 s2, $0xF;
	s6 =	sshll.u32 s6, $0x13  }
0x9: {  	v5 =	vmul.u32 $0xFFFFFFFF, v0;
	s31 =	sshll.u32 s2, $0x6;
	s7 =	sshrl.u32 s4, $0x1;
	s21 =	sxor.u32 $0x7FE, s9  }
0xa: {  	s10 =	sxor.u32 $0x7EE, s9;
	s11 =	sxor.u32 $0x7DE, s9;
	s12 =	sxor.u32 $0x7CE, s9  }
0xb: {  	s13 =	sxor.u32 $0x7BE, s9;
	s14 =	sxor.u32 $0x7AE, s9;
	s17 =	sxor.u32 $0x79E, s9;
	v0 =	vadd.s32 s21, v5;
	v1 =	vadd.s32 s10, v5;
	v2 =	vadd.s32 s11, v5  }
0xc: {  	s15 =	sor.u32 s16, s15;
	s9 =	sxor.u32 $0x78E, s9;
	s7 =	ssub.s32 s4, s7;
	v3 =	vadd.s32 s12, v5;
	v4 =	vadd.s32 s13, v5;
	v6 =	vadd.s32 s14, v5  }
0xd: {  	s4 =	sadd.s32 s22, s8;
	s23 =	ssub.s32 s8, s15;
	s11 =	sadd.s32 s24, s5;
	v7 =	vadd.s32 s17, v5;
	v8 =	vadd.s32 s9, v5;
	vm0 =	vgt.s32 v0, $0x0  }
0xe: {  	s12 =	sor.u32 s26, s25;
	s9 =	simm.s32 $0x80;
	s10 =	simm.s32 $0x1;
	vm1 =	vgt.s32 v1, $0x0;
	vm11 =	vgt.s32 v2, $0x0;
	vm12 =	vgt.s32 v3, $0x0  }
0xf: {  	s13 =	sor.u32 $0x1C03, s31;
	s14 =	simm.s32 $0x2;
	s15 =	simm.s32 $0x0;
	vm2 =	vgt.s32 v4, $0x0;
	vm13 =	vgt.s32 v6, $0x0;
	vm14 =	vgt.s32 v7, $0x0  }
0x10: {  	s5 =	sadd.s32 $0x1F000, s23;
	s28 =	sadd.s32 s6, s11;
	s29 =	ssub.s32 $0xBFE00, s12;
	vm15 =	vgt.s32 v8, $0x0;
	v0 =	vnsel vm0, $0x0, v0;
	v1 =	vnsel vm1, $0x0, v1  }
0x11: {  	s6 =	smax.u32 s7, $0x1;
	s11 =	simm.s32 $0x3;
	v2 =	vnsel vm11, $0x0, v2;
	v3 =	vnsel vm12, $0x0, v3;
	v4 =	vnsel vm2, $0x0, v4;
	s30 =	sshrl.u32 s29, $0x2  }
0x12: {  	s12 =	simm.s32 $0x4080;
	s7 =	sadd.s32 $0x2000, s28;
	v5 =	vnsel vm13, $0x0, v6;
	v6 =	vnsel vm14, $0x0, v7;
	v7 =	vnsel vm15, $0x0, v8;
	s8 =	sadd.s32 s30, s8  }
.LBB2_1:
0x13: {  	[tilespmem:$0x0] =	vst v0  }
0x14: {  	[tilespmem:$0x10] =	vst v1  }
0x15: {  	[tilespmem:$0x20] =	vst v2  }
0x16: {  	[tilespmem:$0x30] =	vst v3  }
0x17: {  	[tilespmem:$0x40] =	vst v4  }
0x18: {  	[tilespmem:$0x50] =	vst v5  }
0x19: {  	[tilespmem:$0x60] =	vst v6  }
0x1a: {  	[tilespmem:$0x70] =	vst v7  }
0x1b: {  	[tilespmem:s9], [sflag:$0x1] =	stream.indirect.gather [hbm4b:s1+s9], $0x80, s3, s9, $0xb8;
	[tilespmem:$0x19080] =	vst v63  }
0x1c: {  	_ =	swait.ge [sflag:s10], $0x4000  }
0x1d: {  	[sflag:s10] =	ssyncset.done $0x0  }
0x1e: {  	[sflag:s10] =	ssyncadd.s32 $0xFFFFC000  }
0x1f: {  	[spmem:s4] =	stream.linear.scatter [tilespmem:s9], [sflag:$0x3], $0x4000, $0x38;
	[tilespmem:$0x19080] =	vst v63  }
0x20: {  	_ =	swait.ge [sflag:s11], $0x4000  }
0x21: {  	[sflag:s11] =	ssyncset.done $0x0  }
0x22: {  	[sflag:s11] =	ssyncadd.s32 $0xFFFFC000  }
0x23: {  	[bflag:$0x0] =	sbarrier.arrive $0xFFFF  }
0x24: {  	[tilespmem:s12], [sflag:$0x3] =	stream.linear.gather [spmem:s5], $0x11000, $0x38;
	[tilespmem:$0x19080] =	vst v63  }
0x25: {  	_ =	swait.ge [sflag:s11], $0x11000  }
0x26: {  	s16 =	sadd.s32 $0xFFFFE000, s7;
	s18 =	sadd.s32 $0x0, s8;
	[sflag:s11] =	ssyncset.done $0x0  }
0x27: {  	s17 =	simm.s32 $0x5000;
	s31 =	sshrl.u32 s18, $0x3;
	[sflag:s11] =	ssyncadd.s32 $0xFFFEF000  }
0x28: {  	[hbm4b:s16+s3] =	stream.linear.scatter [tilespmem:s17], [sflag:$0x2], $0x10000, $0x38;
	[tilespmem:$0x19080] =	vst v63  }
0x29: {  	[hbm:s7], [sflag:s13] =	dma.local [spmem:s31], $0x2000  }
0x2a: {  	_ =	swait.ge [sflag:s11], $0x2000  }
0x2b: {  	[sflag:s11] =	ssyncset.done $0x0  }
0x2c: {  	s18 =	simm.s32 $0xFFFFFC00;
	[sflag:s11] =	ssyncadd.s32 $0xFFFFE000  }
0x2d: {  	s17 =	simm.s32 $0xFFFFFE00;
	s16 =	sadd.s32 $0x4000, s7;
	_ =	swait.ge [sflag:s14], $0x10000  }
.LBB2_2:
0x2e: {  	s19 =	sadd.s32 $0xFFFFE000, s16  }
0x2f: {  	s20 =	sshra.s32 s17, $0x2;
	[sflag:s14] =	ssyncset.done $0x0;
	s17 =	smov.u32 s18  }
0x30: {  	s21 =	sadd.s32 $0x5000, s20;
	s20 =	sadd.s32 s20, s8;
	[sflag:s14] =	ssyncadd.s32 $0xFFFF0000  }
0x31: {  	[hbm4b:s19+s3] =	stream.linear.scatter [tilespmem:s21], [sflag:$0x2], $0x10000, $0x38;
	[tilespmem:$0x19080] =	vst v63  }
0x32: {  	p0 =	sne.s32 s18, $0xFFFFC200;
	s18 =	sadd.s32 $0xFFFFFE00, s18;
	s19 =	sshrl.u32 s20, $0x3  }
0x33: {  	[hbm:s16], [sflag:s13] =	dma.local [spmem:s19], $0x2000  }
.Ltmp0:
0x34: {  	_ = 	snop;
	(pc) =	sbr.rel @p0 .LBB2_2-.Ltmp0, $4  }
0x35: {  	_ =	swait.ge [sflag:s11], $0x2000  }
0x36: {  	[sflag:s11] =	ssyncset.done $0x0  }
0x37: {  	[sflag:s11] =	ssyncadd.s32 $0xFFFFE000  }
0x38: {  	s16 =	sadd.s32 $0x4000, s16;
	_ =	swait.ge [sflag:s14], $0x10000  }
0x39: {  	s18 =	sadd.s32 $0xFFFFE000, s16;
	s17 =	sshra.s32 s17, $0x2;
	[sflag:s14] =	ssyncset.done $0x0  }
0x3a: {  	s19 =	sadd.s32 $0x5000, s17;
	s17 =	sadd.s32 s17, s8;
	[sflag:s14] =	ssyncadd.s32 $0xFFFF0000  }
0x3b: {  	[hbm4b:s18+s3] =	stream.linear.scatter [tilespmem:s19], [sflag:$0x2], $0x10000, $0x38;
	[tilespmem:$0x19080] =	vst v63  }
0x3c: {  	s15 =	sadd.s32 $0x1, s15;
	s17 =	sshrl.u32 s17, $0x3  }
0x3d: {  	[hbm:s16], [sflag:s13] =	dma.local [spmem:s17], $0x2000  }
0x3e: {  	p0 =	sne.s32 s15, s6;
	_ =	swait.ge [sflag:s11], $0x2000  }
.Ltmp1:
0x3f: {  	[sflag:s11] =	ssyncset.done $0x0;
	(pc) =	sbr.rel @p0 .LBB2_1-.Ltmp1, $4  }
0x40: {  	[sflag:s11] =	ssyncadd.s32 $0xFFFFE000  }
0x41: {  	_ =	swait.ge [sflag:s14], $0x10000  }
0x42: {  	[sflag:s14] =	ssyncset.done $0x0  }
0x43: {  	[sflag:s14] =	ssyncadd.s32 $0xFFFF0000  }
0x44: {  	_ =	sfence.sel $0x180000  }
0x45: {  	[bflag:$0x0] =	sbarrier.arrive $0xFFFF  }
0x46: {  	p0 =	sne.s32 s2, $0x0;
	_ =	strace $0x90000047  }
0x47: {  	s0 =	sadd.s32 @!p0 $0x100000, s0;
	[bflag:$0x2] =	sbarrier.arrive $0xFFFF  }
0x48: {  	[sflag:s0] =	ssyncadd.tile.s32 @!p0 $0x1;
	_ =	shalt  }
.Lfunc_end2:
_tile_overlayer_lowered:
.L_overlay_start_2:
0x49: {  	(tag) =	ssettag $0x2  }
0x4a: {  	s0 =	rddreg [dreg:$0x0];
	s2 =	stileid.u32  }
0x4b: {  	s1 =	rddreg [dreg:$0x1];
	p0 =	sne.s32 s2, $0x0  }
0x4c: {  	s3 =	rddreg [dreg:$0x2];
	[bflag:$0x3] =	sbarrier.arrive $0xFFFF;
	s2 =	simm.s32 @!p0 $0x1C03  }
0x4d: {  	[timem:s3], [sflag:s2] =	dma.local @!p0 [hbm:s0], s1  }
0x4e: {  	s0 =	simm.s32 @!p0 $0x3  }
0x4f: {  	_ =	swait.ge @!p0 [sflag:s0], s1  }
0x50: {  	s1 =	ssub.s32 @!p0 $0x0, s1;
	[sflag:s0] =	ssyncset.done @!p0 $0x0  }
0x51: {  	[sflag:s0] =	ssyncadd.s32 @!p0 s1  }
0x52: {  	[bflag:$0x3] =	sbarrier.arrive $0xFFFF  }
0x53: {  	_ =	shalt  }

</sc_bundles>
